<compile_context>
chip_gen: v7x
topology: tpu7x:2x2x1
jax: 0.10.2.dev20260603
libtpu: 0.0.44.dev20260713+nightly
codegen_flags: <defaults>
</compile_context>

<pallas_src>
import jax
import jax.numpy as jnp
from jax import lax
from jax.experimental import pallas as pl
from jax.experimental.pallas import tpu as pltpu
from jax.experimental.pallas import tpu_sc as plsc

N = 10000
D = 128
E = 320000
NC = 2
NS = 16
NW = NC * NS
B = 128
SPW0 = 54
SPW1 = 104
SPW = SPW1
E_PAD = (SPW0 + SPW1) * NS * B
N_PAD = 10240
RPT = N_PAD // NS
ZCH = RPT // B


def _sc_body(x_hbm, src_hbm, dst_hbm, out_hbm, src_v, dst_v, gbuf, acc, sem):
    cid = lax.axis_index("c")
    sid = lax.axis_index("s")
    wid = cid * NS + sid
    nb = jnp.where(cid == 0, SPW0, SPW1)

    zero16 = jnp.zeros((16,), jnp.float32)

    def zrow(r, carry):
        for c in range(D // 16):
            gbuf[r, pl.ds(c * 16, 16)] = zero16
        return carry

    lax.fori_loop(0, B, zrow, 0)
    for k in range(ZCH):
        pltpu.sync_copy(gbuf, acc.at[pl.ds(sid * RPT + k * B, B)])

    pltpu.sync_copy(src_hbm.at[wid], src_v)
    pltpu.sync_copy(dst_hbm.at[wid], dst_v)

    plsc.subcore_barrier()

    def step(j, carry):
        pltpu.async_copy(x_hbm.at[src_v.at[j]], gbuf, sem).wait()
        pltpu.sync_copy(gbuf, acc.at[dst_v.at[j]], add=True)
        return carry

    lax.fori_loop(0, nb, step, 0)

    plsc.subcore_barrier()

    pltpu.sync_copy(acc.at[pl.ds(sid * RPT, RPT)],
                    out_hbm.at[cid, pl.ds(sid * RPT, RPT)])


_sc_call = pl.kernel(
    _sc_body,
    out_type=jax.ShapeDtypeStruct((NC, N_PAD, D), jnp.float32),
    mesh=plsc.VectorSubcoreMesh(core_axis_name="c", subcore_axis_name="s",
                                num_cores=NC, num_subcores=NS),
    scratch_types=[
        pltpu.VMEM((SPW, B), jnp.int32),
        pltpu.VMEM((SPW, B), jnp.int32),
        pltpu.VMEM((B, D), jnp.float32),
        pltpu.VMEM_SHARED((N_PAD, D), jnp.float32),
        pltpu.SemaphoreType.DMA,
    ],
)


def _add_body(a_ref, b_ref, o_ref):
    o_ref[...] = a_ref[...] + b_ref[...]


_BLK = 1000


def _combine(partials):
    return pl.pallas_call(
        _add_body,
        out_shape=jax.ShapeDtypeStruct((N, D), jnp.float32),
        grid=(N // _BLK,),
        in_specs=[
            pl.BlockSpec((None, _BLK, D), lambda i: (0, i, 0)),
            pl.BlockSpec((None, _BLK, D), lambda i: (1, i, 0)),
        ],
        out_specs=pl.BlockSpec((_BLK, D), lambda i: (i, 0)),
    )(partials, partials)


def kernel(x, edge_index):
    src = edge_index[1].astype(jnp.int32)
    dst = edge_index[0].astype(jnp.int32)
    pad = E_PAD - E
    src_p = jnp.concatenate([src, jnp.zeros((pad,), jnp.int32)])
    dst_p = jnp.concatenate([dst, jnp.full((pad,), N_PAD - 1, jnp.int32)])
    e0 = NS * SPW0 * B

    def slabs(a, fill):
        a0 = a[:e0].reshape(NS, SPW0, B)
        a0 = jnp.pad(a0, ((0, 0), (0, SPW1 - SPW0), (0, 0)),
                     constant_values=fill)
        a1 = a[e0:].reshape(NS, SPW1, B)
        return jnp.concatenate([a0, a1], axis=0)

    partials = _sc_call(x, slabs(src_p, 0), slabs(dst_p, N_PAD - 1))
    return _combine(partials)

# --- scband reference (transcript-rebuilt; emitter-appended) ---
"""Pipeline reference for scband-message-passing-28252294873249 (READ-ONLY COPY).

The authoritative reference and input builder live on the scoring server;
editing this copy changes nothing except your own understanding.
"""

import jax, jax.numpy as jnp
import numpy as np


def setup_inputs(seed: int = 0) -> dict:
    key = jax.random.key(seed)
    k1, k2 = jax.random.split(key, 2)
    x = jax.random.normal(k1, (10000, 128), dtype=jnp.float32)
    edge_index = jax.random.randint(k2, (2, 320000), 0, 10000, dtype=jnp.int64)
    return {"x": x, "edge_index": edge_index}


def reference(x, edge_index):
    # MessagePassing base class with aggr='add':
    # message(x_j) = x[edge_index[1]]  (lift to source node j)
    # scatter_('add', out, edge_index[0], dim_size=x.size(0))
    # update(aggr_out) = aggr_out (identity)
    msgs = jnp.take(x, edge_index[1], axis=0)
    out = jax.ops.segment_sum(msgs, edge_index[0], num_segments=x.shape[0])
    return out

if __name__ == "__main__":
    import jax
    _d = setup_inputs()
    print(jax.jit(kernel)(*tuple(_d.values())))

</pallas_src>

<mosaic_0001>
#map = affine_map<(d0, d1) -> (0, 0)>
#map1 = affine_map<(d0, d1) -> (0, 0, 0)>
module attributes {stable_mosaic.version = 14 : i64} {
  func.func @_sc_body(%arg0: i32, %arg1: i32, %arg2: memref<10000x128xf32, #tpu.memory_space<hbm>>, %arg3: memref<32x104x128xi32, #tpu.memory_space<hbm>>, %arg4: memref<32x104x128xi32, #tpu.memory_space<hbm>>, %arg5: memref<2x10240x128xf32, #tpu.memory_space<hbm>>, %arg6: memref<104x128xi32, #tpu.memory_space<vmem>>, %arg7: memref<104x128xi32, #tpu.memory_space<vmem>>, %arg8: memref<128x128xf32, #tpu.memory_space<vmem>>, %arg9: memref<10240x128xf32, #tpu.memory_space<vmem_shared>>, %arg10: memref<!tpu.dma_semaphore, #tpu.memory_space<semaphore_mem>>) attributes {dimension_semantics = [#tpu.dimension_semantics<core_parallel>, #tpu.dimension_semantics<subcore_parallel>], iteration_bounds = array<i64: 2, 16>, scalar_prefetch = 0 : i64, scratch_operands = 5 : i64, tpu.core_type = #tpu.core_type<sc_vector_subcore>, window_params = [{transform_indices = #map}, {transform_indices = #map1}, {transform_indices = #map1}, {transform_indices = #map1}]} {
    %mul3A = arith.constant 16 : i32
    %mul3A_0 = arith.muli %arg0, %mul3A : i32
    %add3A = arith.addi %mul3A_0, %arg1 : i32
    %eq3A = arith.constant 0 : i32
    %eq3A_1 = arith.cmpi eq, %arg0, %eq3A : i32
    %jit3A = arith.constant 54 : i32
    %jit3A_2 = arith.constant 104 : i32
    %select_n3A = arith.select %eq3A_1, %jit3A, %jit3A_2 : i32
    %broadcast_in_dim3A = arith.constant 0.000000e+00 : f32
    %broadcast_in_dim3A_3 = vector.broadcast %broadcast_in_dim3A : f32 to vector<16xf32>
    %scan3A = arith.constant 0 : i32
    %scan3A_4 = arith.constant 0 : i32
    %scan3A_5 = arith.constant 128 : i32
    %scan3A_6 = arith.addi %scan3A_4, %scan3A_5 : i32
    %scan3A_7 = arith.constant 1 : i32
    scf.for %scan3A_43 = %scan3A_4 to %scan3A_6 step %scan3A_7  : i32 {
      %swap3A = arith.index_cast %scan3A_43 : i32 to index
      %swap3A_44 = arith.constant 0 : index
      %swap3A_45 = tpu.vector_load %arg8[%swap3A, %swap3A_44] {strides = array<i32>} : memref<128x128xf32, #tpu.memory_space<vmem>>, vector<1x16xf32>,
      %swap3A_46 = vector.shape_cast %swap3A_45 : vector<1x16xf32> to vector<16xf32>
      %swap3A_47 = vector.shape_cast %broadcast_in_dim3A_3 : vector<16xf32> to vector<1x16xf32>
      tpu.vector_store %arg8[%swap3A, %swap3A_44], %swap3A_47 {strides = array<i32>} : memref<128x128xf32, #tpu.memory_space<vmem>>, vector<1x16xf32>,
      %swap3A_48 = arith.index_cast %scan3A_43 : i32 to index
      %swap3A_49 = arith.constant 16 : index
      %swap3A_50 = tpu.vector_load %arg8[%swap3A_48, %swap3A_49] {strides = array<i32>} : memref<128x128xf32, #tpu.memory_space<vmem>>, vector<1x16xf32>,
      %swap3A_51 = vector.shape_cast %swap3A_50 : vector<1x16xf32> to vector<16xf32>
      %swap3A_52 = vector.shape_cast %broadcast_in_dim3A_3 : vector<16xf32> to vector<1x16xf32>
      tpu.vector_store %arg8[%swap3A_48, %swap3A_49], %swap3A_52 {strides = array<i32>} : memref<128x128xf32, #tpu.memory_space<vmem>>, vector<1x16xf32>,
      %swap3A_53 = arith.index_cast %scan3A_43 : i32 to index
      %swap3A_54 = arith.constant 32 : index
      %swap3A_55 = tpu.vector_load %arg8[%swap3A_53, %swap3A_54] {strides = array<i32>} : memref<128x128xf32, #tpu.memory_space<vmem>>, vector<1x16xf32>,
      %swap3A_56 = vector.shape_cast %swap3A_55 : vector<1x16xf32> to vector<16xf32>
      %swap3A_57 = vector.shape_cast %broadcast_in_dim3A_3 : vector<16xf32> to vector<1x16xf32>
      tpu.vector_store %arg8[%swap3A_53, %swap3A_54], %swap3A_57 {strides = array<i32>} : memref<128x128xf32, #tpu.memory_space<vmem>>, vector<1x16xf32>,
      %swap3A_58 = arith.index_cast %scan3A_43 : i32 to index
      %swap3A_59 = arith.constant 48 : index
      %swap3A_60 = tpu.vector_load %arg8[%swap3A_58, %swap3A_59] {strides = array<i32>} : memref<128x128xf32, #tpu.memory_space<vmem>>, vector<1x16xf32>,
      %swap3A_61 = vector.shape_cast %swap3A_60 : vector<1x16xf32> to vector<16xf32>
      %swap3A_62 = vector.shape_cast %broadcast_in_dim3A_3 : vector<16xf32> to vector<1x16xf32>
      tpu.vector_store %arg8[%swap3A_58, %swap3A_59], %swap3A_62 {strides = array<i32>} : memref<128x128xf32, #tpu.memory_space<vmem>>, vector<1x16xf32>,
      %swap3A_63 = arith.index_cast %scan3A_43 : i32 to index
      %swap3A_64 = arith.constant 64 : index
      %swap3A_65 = tpu.vector_load %arg8[%swap3A_63, %swap3A_64] {strides = array<i32>} : memref<128x128xf32, #tpu.memory_space<vmem>>, vector<1x16xf32>,
      %swap3A_66 = vector.shape_cast %swap3A_65 : vector<1x16xf32> to vector<16xf32>
      %swap3A_67 = vector.shape_cast %broadcast_in_dim3A_3 : vector<16xf32> to vector<1x16xf32>
      tpu.vector_store %arg8[%swap3A_63, %swap3A_64], %swap3A_67 {strides = array<i32>} : memref<128x128xf32, #tpu.memory_space<vmem>>, vector<1x16xf32>,
      %swap3A_68 = arith.index_cast %scan3A_43 : i32 to index
      %swap3A_69 = arith.constant 80 : index
      %swap3A_70 = tpu.vector_load %arg8[%swap3A_68, %swap3A_69] {strides = array<i32>} : memref<128x128xf32, #tpu.memory_space<vmem>>, vector<1x16xf32>,
      %swap3A_71 = vector.shape_cast %swap3A_70 : vector<1x16xf32> to vector<16xf32>
      %swap3A_72 = vector.shape_cast %broadcast_in_dim3A_3 : vector<16xf32> to vector<1x16xf32>
      tpu.vector_store %arg8[%swap3A_68, %swap3A_69], %swap3A_72 {strides = array<i32>} : memref<128x128xf32, #tpu.memory_space<vmem>>, vector<1x16xf32>,
      %swap3A_73 = arith.index_cast %scan3A_43 : i32 to index
      %swap3A_74 = arith.constant 96 : index
      %swap3A_75 = tpu.vector_load %arg8[%swap3A_73, %swap3A_74] {strides = array<i32>} : memref<128x128xf32, #tpu.memory_space<vmem>>, vector<1x16xf32>,
      %swap3A_76 = vector.shape_cast %swap3A_75 : vector<1x16xf32> to vector<16xf32>
      %swap3A_77 = vector.shape_cast %broadcast_in_dim3A_3 : vector<16xf32> to vector<1x16xf32>
      tpu.vector_store %arg8[%swap3A_73, %swap3A_74], %swap3A_77 {strides = array<i32>} : memref<128x128xf32, #tpu.memory_space<vmem>>, vector<1x16xf32>,
      %swap3A_78 = arith.index_cast %scan3A_43 : i32 to index
      %swap3A_79 = arith.constant 112 : index
      %swap3A_80 = tpu.vector_load %arg8[%swap3A_78, %swap3A_79] {strides = array<i32>} : memref<128x128xf32, #tpu.memory_space<vmem>>, vector<1x16xf32>,
      %swap3A_81 = vector.shape_cast %swap3A_80 : vector<1x16xf32> to vector<16xf32>
      %swap3A_82 = vector.shape_cast %broadcast_in_dim3A_3 : vector<16xf32> to vector<1x16xf32>
      tpu.vector_store %arg8[%swap3A_78, %swap3A_79], %swap3A_82 {strides = array<i32>} : memref<128x128xf32, #tpu.memory_space<vmem>>, vector<1x16xf32>,
    }
    %scan3A_8 = arith.constant 128 : i32
    %mul3A_9 = arith.constant 640 : i32
    %mul3A_10 = arith.muli %arg1, %mul3A_9 : i32
    %add3A_11 = arith.constant 0 : i32
    %add3A_12 = arith.addi %mul3A_10, %add3A_11 : i32
    "tpu.region"() ({
      %run_scoped3A = tpu.sem_alloc : memref<!tpu.dma_semaphore, #tpu.memory_space<semaphore_mem>>
      %dma_start3A = arith.constant 0 : i32
      %dma_start3A_43 = tpu.memref_slice %arg9[%add3A_12, %dma_start3A] : memref<10240x128xf32, #tpu.memory_space<vmem_shared>> -> memref<128x128xf32, #tpu.memory_space<vmem_shared>>
      %dma_start3A_44 = arith.constant 0 : i32
      %dma_start3A_45 = tpu.memref_slice %arg9[%add3A_12, %dma_start3A_44] : memref<10240x128xf32, #tpu.memory_space<vmem_shared>> -> memref<128x128xf32, #tpu.memory_space<vmem_shared>>
      tpu.enqueue_dma source(%arg8 : memref<128x128xf32, #tpu.memory_space<vmem>>) target(%dma_start3A_45 : memref<128x128xf32, #tpu.memory_space<vmem_shared>>) target_semaphore(%run_scoped3A : memref<!tpu.dma_semaphore, #tpu.memory_space<semaphore_mem>>)
      %dma_wait3A = arith.constant 0 : i32
      %dma_wait3A_46 = tpu.memref_slice %arg9[%add3A_12, %dma_wait3A] : memref<10240x128xf32, #tpu.memory_space<vmem_shared>> -> memref<128x128xf32, #tpu.memory_space<vmem_shared>>
      %dma_wait3A_47 = arith.constant 0 : i32
      %dma_wait3A_48 = tpu.memref_slice %arg9[%add3A_12, %dma_wait3A_47] : memref<10240x128xf32, #tpu.memory_space<vmem_shared>> -> memref<128x128xf32, #tpu.memory_space<vmem_shared>>
      tpu.wait_dma2 semaphore(%run_scoped3A : memref<!tpu.dma_semaphore, #tpu.memory_space<semaphore_mem>>) src(%arg8 : memref<128x128xf32, #tpu.memory_space<vmem>>) dst(%dma_wait3A_48 : memref<128x128xf32, #tpu.memory_space<vmem_shared>>)
      tpu.yield
    }) : () -> ()
    %mul3A_13 = arith.constant 640 : i32
    %mul3A_14 = arith.muli %arg1, %mul3A_13 : i32
    %add3A_15 = arith.constant 128 : i32
    %add3A_16 = arith.addi %mul3A_14, %add3A_15 : i32
    "tpu.region"() ({
      %run_scoped3A = tpu.sem_alloc : memref<!tpu.dma_semaphore, #tpu.memory_space<semaphore_mem>>
      %dma_start3A = arith.constant 0 : i32
      %dma_start3A_43 = tpu.memref_slice %arg9[%add3A_16, %dma_start3A] : memref<10240x128xf32, #tpu.memory_space<vmem_shared>> -> memref<128x128xf32, #tpu.memory_space<vmem_shared>>
      %dma_start3A_44 = arith.constant 0 : i32
      %dma_start3A_45 = tpu.memref_slice %arg9[%add3A_16, %dma_start3A_44] : memref<10240x128xf32, #tpu.memory_space<vmem_shared>> -> memref<128x128xf32, #tpu.memory_space<vmem_shared>>
      tpu.enqueue_dma source(%arg8 : memref<128x128xf32, #tpu.memory_space<vmem>>) target(%dma_start3A_45 : memref<128x128xf32, #tpu.memory_space<vmem_shared>>) target_semaphore(%run_scoped3A : memref<!tpu.dma_semaphore, #tpu.memory_space<semaphore_mem>>)
      %dma_wait3A = arith.constant 0 : i32
      %dma_wait3A_46 = tpu.memref_slice %arg9[%add3A_16, %dma_wait3A] : memref<10240x128xf32, #tpu.memory_space<vmem_shared>> -> memref<128x128xf32, #tpu.memory_space<vmem_shared>>
      %dma_wait3A_47 = arith.constant 0 : i32
      %dma_wait3A_48 = tpu.memref_slice %arg9[%add3A_16, %dma_wait3A_47] : memref<10240x128xf32, #tpu.memory_space<vmem_shared>> -> memref<128x128xf32, #tpu.memory_space<vmem_shared>>
      tpu.wait_dma2 semaphore(%run_scoped3A : memref<!tpu.dma_semaphore, #tpu.memory_space<semaphore_mem>>) src(%arg8 : memref<128x128xf32, #tpu.memory_space<vmem>>) dst(%dma_wait3A_48 : memref<128x128xf32, #tpu.memory_space<vmem_shared>>)
      tpu.yield
    }) : () -> ()
    %mul3A_17 = arith.constant 640 : i32
    %mul3A_18 = arith.muli %arg1, %mul3A_17 : i32
    %add3A_19 = arith.constant 256 : i32
    %add3A_20 = arith.addi %mul3A_18, %add3A_19 : i32
    "tpu.region"() ({
      %run_scoped3A = tpu.sem_alloc : memref<!tpu.dma_semaphore, #tpu.memory_space<semaphore_mem>>
      %dma_start3A = arith.constant 0 : i32
      %dma_start3A_43 = tpu.memref_slice %arg9[%add3A_20, %dma_start3A] : memref<10240x128xf32, #tpu.memory_space<vmem_shared>> -> memref<128x128xf32, #tpu.memory_space<vmem_shared>>
      %dma_start3A_44 = arith.constant 0 : i32
      %dma_start3A_45 = tpu.memref_slice %arg9[%add3A_20, %dma_start3A_44] : memref<10240x128xf32, #tpu.memory_space<vmem_shared>> -> memref<128x128xf32, #tpu.memory_space<vmem_shared>>
      tpu.enqueue_dma source(%arg8 : memref<128x128xf32, #tpu.memory_space<vmem>>) target(%dma_start3A_45 : memref<128x128xf32, #tpu.memory_space<vmem_shared>>) target_semaphore(%run_scoped3A : memref<!tpu.dma_semaphore, #tpu.memory_space<semaphore_mem>>)
      %dma_wait3A = arith.constant 0 : i32
      %dma_wait3A_46 = tpu.memref_slice %arg9[%add3A_20, %dma_wait3A] : memref<10240x128xf32, #tpu.memory_space<vmem_shared>> -> memref<128x128xf32, #tpu.memory_space<vmem_shared>>
      %dma_wait3A_47 = arith.constant 0 : i32
      %dma_wait3A_48 = tpu.memref_slice %arg9[%add3A_20, %dma_wait3A_47] : memref<10240x128xf32, #tpu.memory_space<vmem_shared>> -> memref<128x128xf32, #tpu.memory_space<vmem_shared>>
      tpu.wait_dma2 semaphore(%run_scoped3A : memref<!tpu.dma_semaphore, #tpu.memory_space<semaphore_mem>>) src(%arg8 : memref<128x128xf32, #tpu.memory_space<vmem>>) dst(%dma_wait3A_48 : memref<128x128xf32, #tpu.memory_space<vmem_shared>>)
      tpu.yield
    }) : () -> ()
    %mul3A_21 = arith.constant 640 : i32
    %mul3A_22 = arith.muli %arg1, %mul3A_21 : i32
    %add3A_23 = arith.constant 384 : i32
    %add3A_24 = arith.addi %mul3A_22, %add3A_23 : i32
    "tpu.region"() ({
      %run_scoped3A = tpu.sem_alloc : memref<!tpu.dma_semaphore, #tpu.memory_space<semaphore_mem>>
      %dma_start3A = arith.constant 0 : i32
      %dma_start3A_43 = tpu.memref_slice %arg9[%add3A_24, %dma_start3A] : memref<10240x128xf32, #tpu.memory_space<vmem_shared>> -> memref<128x128xf32, #tpu.memory_space<vmem_shared>>
      %dma_start3A_44 = arith.constant 0 : i32
      %dma_start3A_45 = tpu.memref_slice %arg9[%add3A_24, %dma_start3A_44] : memref<10240x128xf32, #tpu.memory_space<vmem_shared>> -> memref<128x128xf32, #tpu.memory_space<vmem_shared>>
      tpu.enqueue_dma source(%arg8 : memref<128x128xf32, #tpu.memory_space<vmem>>) target(%dma_start3A_45 : memref<128x128xf32, #tpu.memory_space<vmem_shared>>) target_semaphore(%run_scoped3A : memref<!tpu.dma_semaphore, #tpu.memory_space<semaphore_mem>>)
      %dma_wait3A = arith.constant 0 : i32
      %dma_wait3A_46 = tpu.memref_slice %arg9[%add3A_24, %dma_wait3A] : memref<10240x128xf32, #tpu.memory_space<vmem_shared>> -> memref<128x128xf32, #tpu.memory_space<vmem_shared>>
      %dma_wait3A_47 = arith.constant 0 : i32
      %dma_wait3A_48 = tpu.memref_slice %arg9[%add3A_24, %dma_wait3A_47] : memref<10240x128xf32, #tpu.memory_space<vmem_shared>> -> memref<128x128xf32, #tpu.memory_space<vmem_shared>>
      tpu.wait_dma2 semaphore(%run_scoped3A : memref<!tpu.dma_semaphore, #tpu.memory_space<semaphore_mem>>) src(%arg8 : memref<128x128xf32, #tpu.memory_space<vmem>>) dst(%dma_wait3A_48 : memref<128x128xf32, #tpu.memory_space<vmem_shared>>)
      tpu.yield
    }) : () -> ()
    %mul3A_25 = arith.constant 640 : i32
    %mul3A_26 = arith.muli %arg1, %mul3A_25 : i32
    %add3A_27 = arith.constant 512 : i32
    %add3A_28 = arith.addi %mul3A_26, %add3A_27 : i32
    "tpu.region"() ({
      %run_scoped3A = tpu.sem_alloc : memref<!tpu.dma_semaphore, #tpu.memory_space<semaphore_mem>>
      %dma_start3A = arith.constant 0 : i32
      %dma_start3A_43 = tpu.memref_slice %arg9[%add3A_28, %dma_start3A] : memref<10240x128xf32, #tpu.memory_space<vmem_shared>> -> memref<128x128xf32, #tpu.memory_space<vmem_shared>>
      %dma_start3A_44 = arith.constant 0 : i32
      %dma_start3A_45 = tpu.memref_slice %arg9[%add3A_28, %dma_start3A_44] : memref<10240x128xf32, #tpu.memory_space<vmem_shared>> -> memref<128x128xf32, #tpu.memory_space<vmem_shared>>
      tpu.enqueue_dma source(%arg8 : memref<128x128xf32, #tpu.memory_space<vmem>>) target(%dma_start3A_45 : memref<128x128xf32, #tpu.memory_space<vmem_shared>>) target_semaphore(%run_scoped3A : memref<!tpu.dma_semaphore, #tpu.memory_space<semaphore_mem>>)
      %dma_wait3A = arith.constant 0 : i32
      %dma_wait3A_46 = tpu.memref_slice %arg9[%add3A_28, %dma_wait3A] : memref<10240x128xf32, #tpu.memory_space<vmem_shared>> -> memref<128x128xf32, #tpu.memory_space<vmem_shared>>
      %dma_wait3A_47 = arith.constant 0 : i32
      %dma_wait3A_48 = tpu.memref_slice %arg9[%add3A_28, %dma_wait3A_47] : memref<10240x128xf32, #tpu.memory_space<vmem_shared>> -> memref<128x128xf32, #tpu.memory_space<vmem_shared>>
      tpu.wait_dma2 semaphore(%run_scoped3A : memref<!tpu.dma_semaphore, #tpu.memory_space<semaphore_mem>>) src(%arg8 : memref<128x128xf32, #tpu.memory_space<vmem>>) dst(%dma_wait3A_48 : memref<128x128xf32, #tpu.memory_space<vmem_shared>>)
      tpu.yield
    }) : () -> ()
    "tpu.region"() ({
      %run_scoped3A = tpu.sem_alloc : memref<!tpu.dma_semaphore, #tpu.memory_space<semaphore_mem>>
      %dma_start3A = arith.constant 0 : i32
      %dma_start3A_43 = arith.constant 0 : i32
      %dma_start3A_44 = tpu.memref_slice %arg3[%add3A, %dma_start3A, %dma_start3A_43] : memref<32x104x128xi32, #tpu.memory_space<hbm>> -> memref<1x104x128xi32, #tpu.memory_space<hbm>>
      %dma_start3A_45 = tpu.memref_squeeze %dma_start3A_44 : memref<1x104x128xi32, #tpu.memory_space<hbm>> -> memref<104x128xi32, #tpu.memory_space<hbm>>
      %dma_start3A_46 = arith.constant 0 : i32
      %dma_start3A_47 = arith.constant 0 : i32
      %dma_start3A_48 = tpu.memref_slice %arg3[%add3A, %dma_start3A_46, %dma_start3A_47] : memref<32x104x128xi32, #tpu.memory_space<hbm>> -> memref<1x104x128xi32, #tpu.memory_space<hbm>>
      %dma_start3A_49 = tpu.memref_squeeze %dma_start3A_48 : memref<1x104x128xi32, #tpu.memory_space<hbm>> -> memref<104x128xi32, #tpu.memory_space<hbm>>
      tpu.enqueue_dma source(%dma_start3A_49 : memref<104x128xi32, #tpu.memory_space<hbm>>) target(%arg6 : memref<104x128xi32, #tpu.memory_space<vmem>>) target_semaphore(%run_scoped3A : memref<!tpu.dma_semaphore, #tpu.memory_space<semaphore_mem>>)
      %dma_wait3A = arith.constant 0 : i32
      %dma_wait3A_50 = arith.constant 0 : i32
      %dma_wait3A_51 = tpu.memref_slice %arg3[%add3A, %dma_wait3A, %dma_wait3A_50] : memref<32x104x128xi32, #tpu.memory_space<hbm>> -> memref<1x104x128xi32, #tpu.memory_space<hbm>>
      %dma_wait3A_52 = tpu.memref_squeeze %dma_wait3A_51 : memref<1x104x128xi32, #tpu.memory_space<hbm>> -> memref<104x128xi32, #tpu.memory_space<hbm>>
      %dma_wait3A_53 = arith.constant 0 : i32
      %dma_wait3A_54 = arith.constant 0 : i32
      %dma_wait3A_55 = tpu.memref_slice %arg3[%add3A, %dma_wait3A_53, %dma_wait3A_54] : memref<32x104x128xi32, #tpu.memory_space<hbm>> -> memref<1x104x128xi32, #tpu.memory_space<hbm>>
      %dma_wait3A_56 = tpu.memref_squeeze %dma_wait3A_55 : memref<1x104x128xi32, #tpu.memory_space<hbm>> -> memref<104x128xi32, #tpu.memory_space<hbm>>
      tpu.wait_dma2 semaphore(%run_scoped3A : memref<!tpu.dma_semaphore, #tpu.memory_space<semaphore_mem>>) src(%dma_wait3A_56 : memref<104x128xi32, #tpu.memory_space<hbm>>) dst(%arg6 : memref<104x128xi32, #tpu.memory_space<vmem>>)
      tpu.yield
    }) : () -> ()
    "tpu.region"() ({
      %run_scoped3A = tpu.sem_alloc : memref<!tpu.dma_semaphore, #tpu.memory_space<semaphore_mem>>
      %dma_start3A = arith.constant 0 : i32
      %dma_start3A_43 = arith.constant 0 : i32
      %dma_start3A_44 = tpu.memref_slice %arg4[%add3A, %dma_start3A, %dma_start3A_43] : memref<32x104x128xi32, #tpu.memory_space<hbm>> -> memref<1x104x128xi32, #tpu.memory_space<hbm>>
      %dma_start3A_45 = tpu.memref_squeeze %dma_start3A_44 : memref<1x104x128xi32, #tpu.memory_space<hbm>> -> memref<104x128xi32, #tpu.memory_space<hbm>>
      %dma_start3A_46 = arith.constant 0 : i32
      %dma_start3A_47 = arith.constant 0 : i32
      %dma_start3A_48 = tpu.memref_slice %arg4[%add3A, %dma_start3A_46, %dma_start3A_47] : memref<32x104x128xi32, #tpu.memory_space<hbm>> -> memref<1x104x128xi32, #tpu.memory_space<hbm>>
      %dma_start3A_49 = tpu.memref_squeeze %dma_start3A_48 : memref<1x104x128xi32, #tpu.memory_space<hbm>> -> memref<104x128xi32, #tpu.memory_space<hbm>>
      tpu.enqueue_dma source(%dma_start3A_49 : memref<104x128xi32, #tpu.memory_space<hbm>>) target(%arg7 : memref<104x128xi32, #tpu.memory_space<vmem>>) target_semaphore(%run_scoped3A : memref<!tpu.dma_semaphore, #tpu.memory_space<semaphore_mem>>)
      %dma_wait3A = arith.constant 0 : i32
      %dma_wait3A_50 = arith.constant 0 : i32
      %dma_wait3A_51 = tpu.memref_slice %arg4[%add3A, %dma_wait3A, %dma_wait3A_50] : memref<32x104x128xi32, #tpu.memory_space<hbm>> -> memref<1x104x128xi32, #tpu.memory_space<hbm>>
      %dma_wait3A_52 = tpu.memref_squeeze %dma_wait3A_51 : memref<1x104x128xi32, #tpu.memory_space<hbm>> -> memref<104x128xi32, #tpu.memory_space<hbm>>
      %dma_wait3A_53 = arith.constant 0 : i32
      %dma_wait3A_54 = arith.constant 0 : i32
      %dma_wait3A_55 = tpu.memref_slice %arg4[%add3A, %dma_wait3A_53, %dma_wait3A_54] : memref<32x104x128xi32, #tpu.memory_space<hbm>> -> memref<1x104x128xi32, #tpu.memory_space<hbm>>
      %dma_wait3A_56 = tpu.memref_squeeze %dma_wait3A_55 : memref<1x104x128xi32, #tpu.memory_space<hbm>> -> memref<104x128xi32, #tpu.memory_space<hbm>>
      tpu.wait_dma2 semaphore(%run_scoped3A : memref<!tpu.dma_semaphore, #tpu.memory_space<semaphore_mem>>) src(%dma_wait3A_56 : memref<104x128xi32, #tpu.memory_space<hbm>>) dst(%arg7 : memref<104x128xi32, #tpu.memory_space<vmem>>)
      tpu.yield
    }) : () -> ()
    %barrier3A = arith.constant 0 : index
    tpu.barrier barrier_id(%barrier3A)
    %while3A = arith.constant 0 : i32
    %while3A_29 = arith.constant 0 : i32
    %while3A_30 = arith.subi %select_n3A, %while3A_29 : i32
    %while3A_31 = arith.addi %while3A_29, %while3A_30 : i32
    %while3A_32 = arith.constant 1 : i32
    %while3A_33 = arith.divsi %while3A_30, %while3A_32 : i32
    %while3A_34 = arith.muli %while3A_33, %while3A_32 : i32
    %while3A_35 = arith.addi %while3A_29, %while3A_34 : i32
    %while3A_36 = arith.constant 1 : i32
    scf.for %while3A_43 = %while3A_29 to %while3A_35 step %while3A_36  : i32 {
      %dma_start3A = arith.constant 0 : i32
      %dma_start3A_44 = tpu.memref_slice %arg6[%while3A_43, %dma_start3A] : memref<104x128xi32, #tpu.memory_space<vmem>> -> memref<1x128xi32, #tpu.memory_space<vmem>>
      %dma_start3A_45 = tpu.memref_squeeze %dma_start3A_44 : memref<1x128xi32, #tpu.memory_space<vmem>> -> memref<128xi32, #tpu.memory_space<vmem>>
      %dma_start3A_46 = arith.constant 0 : i32
      %dma_start3A_47 = arith.constant 0 : i32
      %dma_start3A_48 = tpu.memref_slice %arg2[%dma_start3A_46, %dma_start3A_47] : memref<10000x128xf32, #tpu.memory_space<hbm>> -> memref<10000x128xf32, #tpu.memory_space<hbm>>
      tpu.enqueue_indirect_dma source(%dma_start3A_48 : memref<10000x128xf32, #tpu.memory_space<hbm>>) target(%arg8 : memref<128x128xf32, #tpu.memory_space<vmem>>) offsets(%dma_start3A_45 : memref<128xi32, #tpu.memory_space<vmem>>) semaphore(%arg10 : memref<!tpu.dma_semaphore, #tpu.memory_space<semaphore_mem>>)
      %dma_wait3A = arith.constant 0 : i32
      %dma_wait3A_49 = tpu.memref_slice %arg6[%while3A_43, %dma_wait3A] : memref<104x128xi32, #tpu.memory_space<vmem>> -> memref<1x128xi32, #tpu.memory_space<vmem>>
      %dma_wait3A_50 = tpu.memref_squeeze %dma_wait3A_49 : memref<1x128xi32, #tpu.memory_space<vmem>> -> memref<128xi32, #tpu.memory_space<vmem>>
      %dma_wait3A_51 = arith.constant 0 : i32
      %dma_wait3A_52 = arith.constant 0 : i32
      %dma_wait3A_53 = tpu.memref_slice %arg2[%dma_wait3A_51, %dma_wait3A_52] : memref<10000x128xf32, #tpu.memory_space<hbm>> -> memref<10000x128xf32, #tpu.memory_space<hbm>>
      tpu.wait_indirect_dma semaphore(%arg10 : memref<!tpu.dma_semaphore, #tpu.memory_space<semaphore_mem>>) src(%dma_wait3A_53 : memref<10000x128xf32, #tpu.memory_space<hbm>>) dst(%arg8 : memref<128x128xf32, #tpu.memory_space<vmem>>)
      "tpu.region"() ({
        %run_scoped3A = tpu.sem_alloc : memref<!tpu.dma_semaphore, #tpu.memory_space<semaphore_mem>>
        %dma_start3A_54 = arith.constant 0 : i32
        %dma_start3A_55 = tpu.memref_slice %arg7[%while3A_43, %dma_start3A_54] : memref<104x128xi32, #tpu.memory_space<vmem>> -> memref<1x128xi32, #tpu.memory_space<vmem>>
        %dma_start3A_56 = tpu.memref_squeeze %dma_start3A_55 : memref<1x128xi32, #tpu.memory_space<vmem>> -> memref<128xi32, #tpu.memory_space<vmem>>
        %dma_start3A_57 = arith.constant 0 : i32
        %dma_start3A_58 = arith.constant 0 : i32
        %dma_start3A_59 = tpu.memref_slice %arg9[%dma_start3A_57, %dma_start3A_58] : memref<10240x128xf32, #tpu.memory_space<vmem_shared>> -> memref<10240x128xf32, #tpu.memory_space<vmem_shared>>
        tpu.enqueue_indirect_dma source(%arg8 : memref<128x128xf32, #tpu.memory_space<vmem>>) target(%dma_start3A_59 : memref<10240x128xf32, #tpu.memory_space<vmem_shared>>) offsets(%dma_start3A_56 : memref<128xi32, #tpu.memory_space<vmem>>) semaphore(%run_scoped3A : memref<!tpu.dma_semaphore, #tpu.memory_space<semaphore_mem>>) {add = true}
        %dma_wait3A_60 = arith.constant 0 : i32
        %dma_wait3A_61 = tpu.memref_slice %arg7[%while3A_43, %dma_wait3A_60] : memref<104x128xi32, #tpu.memory_space<vmem>> -> memref<1x128xi32, #tpu.memory_space<vmem>>
        %dma_wait3A_62 = tpu.memref_squeeze %dma_wait3A_61 : memref<1x128xi32, #tpu.memory_space<vmem>> -> memref<128xi32, #tpu.memory_space<vmem>>
        %dma_wait3A_63 = arith.constant 0 : i32
        %dma_wait3A_64 = arith.constant 0 : i32
        %dma_wait3A_65 = tpu.memref_slice %arg9[%dma_wait3A_63, %dma_wait3A_64] : memref<10240x128xf32, #tpu.memory_space<vmem_shared>> -> memref<10240x128xf32, #tpu.memory_space<vmem_shared>>
        tpu.wait_indirect_dma semaphore(%run_scoped3A : memref<!tpu.dma_semaphore, #tpu.memory_space<semaphore_mem>>) src(%arg8 : memref<128x128xf32, #tpu.memory_space<vmem>>) dst(%dma_wait3A_65 : memref<10240x128xf32, #tpu.memory_space<vmem_shared>>)
        tpu.yield
      }) : () -> ()
    }
    %while3A_37 = arith.constant 1 : i32
    scf.for %while3A_43 = %while3A_35 to %while3A_31 step %while3A_37  : i32 {
      %dma_start3A = arith.constant 0 : i32
      %dma_start3A_44 = tpu.memref_slice %arg6[%while3A_43, %dma_start3A] : memref<104x128xi32, #tpu.memory_space<vmem>> -> memref<1x128xi32, #tpu.memory_space<vmem>>
      %dma_start3A_45 = tpu.memref_squeeze %dma_start3A_44 : memref<1x128xi32, #tpu.memory_space<vmem>> -> memref<128xi32, #tpu.memory_space<vmem>>
      %dma_start3A_46 = arith.constant 0 : i32
      %dma_start3A_47 = arith.constant 0 : i32
      %dma_start3A_48 = tpu.memref_slice %arg2[%dma_start3A_46, %dma_start3A_47] : memref<10000x128xf32, #tpu.memory_space<hbm>> -> memref<10000x128xf32, #tpu.memory_space<hbm>>
      tpu.enqueue_indirect_dma source(%dma_start3A_48 : memref<10000x128xf32, #tpu.memory_space<hbm>>) target(%arg8 : memref<128x128xf32, #tpu.memory_space<vmem>>) offsets(%dma_start3A_45 : memref<128xi32, #tpu.memory_space<vmem>>) semaphore(%arg10 : memref<!tpu.dma_semaphore, #tpu.memory_space<semaphore_mem>>)
      %dma_wait3A = arith.constant 0 : i32
      %dma_wait3A_49 = tpu.memref_slice %arg6[%while3A_43, %dma_wait3A] : memref<104x128xi32, #tpu.memory_space<vmem>> -> memref<1x128xi32, #tpu.memory_space<vmem>>
      %dma_wait3A_50 = tpu.memref_squeeze %dma_wait3A_49 : memref<1x128xi32, #tpu.memory_space<vmem>> -> memref<128xi32, #tpu.memory_space<vmem>>
      %dma_wait3A_51 = arith.constant 0 : i32
      %dma_wait3A_52 = arith.constant 0 : i32
      %dma_wait3A_53 = tpu.memref_slice %arg2[%dma_wait3A_51, %dma_wait3A_52] : memref<10000x128xf32, #tpu.memory_space<hbm>> -> memref<10000x128xf32, #tpu.memory_space<hbm>>
      tpu.wait_indirect_dma semaphore(%arg10 : memref<!tpu.dma_semaphore, #tpu.memory_space<semaphore_mem>>) src(%dma_wait3A_53 : memref<10000x128xf32, #tpu.memory_space<hbm>>) dst(%arg8 : memref<128x128xf32, #tpu.memory_space<vmem>>)
      "tpu.region"() ({
        %run_scoped3A = tpu.sem_alloc : memref<!tpu.dma_semaphore, #tpu.memory_space<semaphore_mem>>
        %dma_start3A_54 = arith.constant 0 : i32
        %dma_start3A_55 = tpu.memref_slice %arg7[%while3A_43, %dma_start3A_54] : memref<104x128xi32, #tpu.memory_space<vmem>> -> memref<1x128xi32, #tpu.memory_space<vmem>>
        %dma_start3A_56 = tpu.memref_squeeze %dma_start3A_55 : memref<1x128xi32, #tpu.memory_space<vmem>> -> memref<128xi32, #tpu.memory_space<vmem>>
        %dma_start3A_57 = arith.constant 0 : i32
        %dma_start3A_58 = arith.constant 0 : i32
        %dma_start3A_59 = tpu.memref_slice %arg9[%dma_start3A_57, %dma_start3A_58] : memref<10240x128xf32, #tpu.memory_space<vmem_shared>> -> memref<10240x128xf32, #tpu.memory_space<vmem_shared>>
        tpu.enqueue_indirect_dma source(%arg8 : memref<128x128xf32, #tpu.memory_space<vmem>>) target(%dma_start3A_59 : memref<10240x128xf32, #tpu.memory_space<vmem_shared>>) offsets(%dma_start3A_56 : memref<128xi32, #tpu.memory_space<vmem>>) semaphore(%run_scoped3A : memref<!tpu.dma_semaphore, #tpu.memory_space<semaphore_mem>>) {add = true}
        %dma_wait3A_60 = arith.constant 0 : i32
        %dma_wait3A_61 = tpu.memref_slice %arg7[%while3A_43, %dma_wait3A_60] : memref<104x128xi32, #tpu.memory_space<vmem>> -> memref<1x128xi32, #tpu.memory_space<vmem>>
        %dma_wait3A_62 = tpu.memref_squeeze %dma_wait3A_61 : memref<1x128xi32, #tpu.memory_space<vmem>> -> memref<128xi32, #tpu.memory_space<vmem>>
        %dma_wait3A_63 = arith.constant 0 : i32
        %dma_wait3A_64 = arith.constant 0 : i32
        %dma_wait3A_65 = tpu.memref_slice %arg9[%dma_wait3A_63, %dma_wait3A_64] : memref<10240x128xf32, #tpu.memory_space<vmem_shared>> -> memref<10240x128xf32, #tpu.memory_space<vmem_shared>>
        tpu.wait_indirect_dma semaphore(%run_scoped3A : memref<!tpu.dma_semaphore, #tpu.memory_space<semaphore_mem>>) src(%arg8 : memref<128x128xf32, #tpu.memory_space<vmem>>) dst(%dma_wait3A_65 : memref<10240x128xf32, #tpu.memory_space<vmem_shared>>)
        tpu.yield
      }) : () -> ()
    }
    %barrier3A_38 = arith.constant 0 : index
    tpu.barrier barrier_id(%barrier3A_38)
    %mul3A_39 = arith.constant 640 : i32
    %mul3A_40 = arith.muli %arg1, %mul3A_39 : i32
    %mul3A_41 = arith.constant 640 : i32
    %mul3A_42 = arith.muli %arg1, %mul3A_41 : i32
    "tpu.region"() ({
      %run_scoped3A = tpu.sem_alloc : memref<!tpu.dma_semaphore, #tpu.memory_space<semaphore_mem>>
      %dma_start3A = arith.constant 0 : i32
      %dma_start3A_43 = tpu.memref_slice %arg5[%arg0, %mul3A_42, %dma_start3A] : memref<2x10240x128xf32, #tpu.memory_space<hbm>> -> memref<1x640x128xf32, #tpu.memory_space<hbm>>
      %dma_start3A_44 = tpu.memref_squeeze %dma_start3A_43 : memref<1x640x128xf32, #tpu.memory_space<hbm>> -> memref<640x128xf32, #tpu.memory_space<hbm>>
      %dma_start3A_45 = arith.constant 0 : i32
      %dma_start3A_46 = tpu.memref_slice %arg9[%mul3A_40, %dma_start3A_45] : memref<10240x128xf32, #tpu.memory_space<vmem_shared>> -> memref<640x128xf32, #tpu.memory_space<vmem_shared>>
      tpu.enqueue_dma source(%dma_start3A_46 : memref<640x128xf32, #tpu.memory_space<vmem_shared>>) target(%dma_start3A_44 : memref<640x128xf32, #tpu.memory_space<hbm>>) target_semaphore(%run_scoped3A : memref<!tpu.dma_semaphore, #tpu.memory_space<semaphore_mem>>)
      %dma_wait3A = arith.constant 0 : i32
      %dma_wait3A_47 = tpu.memref_slice %arg5[%arg0, %mul3A_42, %dma_wait3A] : memref<2x10240x128xf32, #tpu.memory_space<hbm>> -> memref<1x640x128xf32, #tpu.memory_space<hbm>>
      %dma_wait3A_48 = tpu.memref_squeeze %dma_wait3A_47 : memref<1x640x128xf32, #tpu.memory_space<hbm>> -> memref<640x128xf32, #tpu.memory_space<hbm>>
      %dma_wait3A_49 = arith.constant 0 : i32
      %dma_wait3A_50 = tpu.memref_slice %arg9[%mul3A_40, %dma_wait3A_49] : memref<10240x128xf32, #tpu.memory_space<vmem_shared>> -> memref<640x128xf32, #tpu.memory_space<vmem_shared>>
      tpu.wait_dma2 semaphore(%run_scoped3A : memref<!tpu.dma_semaphore, #tpu.memory_space<semaphore_mem>>) src(%dma_wait3A_50 : memref<640x128xf32, #tpu.memory_space<vmem_shared>>) dst(%dma_wait3A_48 : memref<640x128xf32, #tpu.memory_space<hbm>>)
      tpu.yield
    }) : () -> ()
    return
  }
}

module attributes {stable_mosaic.version = 14 : i64} {
  func.func @_add_body(%arg0: i32, %arg1: memref<1x1000x128xf32, #tpu.memory_space<vmem>>, %arg2: memref<1x1000x128xf32, #tpu.memory_space<vmem>>, %arg3: memref<1000x128xf32, #tpu.memory_space<vmem>>) attributes {dimension_semantics = [#tpu.dimension_semantics<arbitrary>], iteration_bounds = array<i64: 10>, scalar_prefetch = 0 : i64, scratch_operands = 0 : i64, tpu.core_type = #tpu.core_type<tc>, window_params = [{transform_indices = @transform_0, window_bounds = array<i64: 1, 1000, 128>}, {transform_indices = @transform_1, window_bounds = array<i64: 1, 1000, 128>}, {transform_indices = @transform_2, window_bounds = array<i64: 1000, 128>}]} {
    %get3A = arith.constant 0 : index
    %get3A_0 = arith.constant 0 : index
    %get3A_1 = arith.constant 0 : index
    %get3A_2 = vector.load %arg1[%get3A, %get3A_0, %get3A_1] : memref<1x1000x128xf32, #tpu.memory_space<vmem>>, vector<1x1000x128xf32>
    %get3A_3 = vector.shape_cast %get3A_2 : vector<1x1000x128xf32> to vector<1000x128xf32>
    %get3A_4 = arith.constant 0 : index
    %get3A_5 = arith.constant 0 : index
    %get3A_6 = arith.constant 0 : index
    %get3A_7 = vector.load %arg2[%get3A_4, %get3A_5, %get3A_6] : memref<1x1000x128xf32, #tpu.memory_space<vmem>>, vector<1x1000x128xf32>
    %get3A_8 = vector.shape_cast %get3A_7 : vector<1x1000x128xf32> to vector<1000x128xf32>
    %add3A = arith.addf %get3A_3, %get3A_8 : vector<1000x128xf32>
    %swap3A = arith.constant 0 : index
    %swap3A_9 = arith.constant 0 : index
    %swap3A_10 = vector.load %arg3[%swap3A, %swap3A_9] : memref<1000x128xf32, #tpu.memory_space<vmem>>, vector<1000x128xf32>
    tpu.vector_store %arg3[%swap3A, %swap3A_9], %add3A {strides = array<i32>} : memref<1000x128xf32, #tpu.memory_space<vmem>>, vector<1000x128xf32>,
    return
  }
  func.func @transform_0(%arg0: i32) -> (i32, i32, i32) {
    %c0_i32 = arith.constant 0 : i32
    %c0_i32_0 = arith.constant 0 : i32
    %c0_i32_1 = arith.constant 0 : i32
    return %c0_i32, %arg0, %c0_i32_0 : i32, i32, i32
  }
  func.func @transform_1(%arg0: i32) -> (i32, i32, i32) {
    %c1_i32 = arith.constant 1 : i32
    %c0_i32 = arith.constant 0 : i32
    %c0_i32_0 = arith.constant 0 : i32
    return %c1_i32, %arg0, %c0_i32 : i32, i32, i32
  }
  func.func @transform_2(%arg0: i32) -> (i32, i32) {
    %c0_i32 = arith.constant 0 : i32
    %c0_i32_0 = arith.constant 0 : i32
    return %arg0, %c0_i32 : i32, i32
  }
}

</mosaic_0001>

<sc_bundles>
// kernel: kernel.4.cloned.1.call-start
scs
__scs_entry_jumppad:
0x0: {  	(pc) =	sbr.rel $0x88, $3  }
0x1: {  	(tag) =	ssettag $0x0;
	lr =	simm.s32 $0x1  }
0x2: {  	[smem:$0x3F9F] =	sst lr;
	_ =	strace $0xD0000000  }
0x3: {  	_ = 	snop  }
0x4: {  	_ = 	snop  }
0x5: {  	_ = 	snop  }
0x6: {  	_ = 	snop  }
0x7: {  	_ = 	snop  }
__scs_overlays_trampoline_lowered:
0x8: {  	[smem:$0x3FAE] =	sst s0  }
0x9: {  	[smem:$0x3FAF] =	sst s1  }
0xa: {  	[smem:$0x3FB0] =	sst s2  }
0xb: {  	[smem:$0x3FB1] =	sst s3  }
0xc: {  	[smem:$0x3FB2] =	sst s4  }
0xd: {  	[smem:$0x3FB3] =	sst s5  }
0xe: {  	[smem:$0x3FB4] =	sst s6  }
0xf: {  	[smem:$0x3FB5] =	sst s7  }
0x10: {  	[smem:$0x3FB6] =	sst s8  }
0x11: {  	[smem:$0x3FB7] =	sst s9;
	s0 =	simm.s32 @!p0 $0x0  }
0x12: {  	s1 =	sld [smem:$0x3F9D];
	s0 =	simm.s32 @p0 $0x1  }
0x13: {  	[smem:$0x3FB8] =	sst s0;
	s0 =	simm.s32 @!p1 $0x0  }
0x14: {  	s2 =	sld [smem:$0x3F9C];
	s0 =	simm.s32 @p1 $0x1  }
0x15: {  	[smem:$0x3FB9] =	sst s0;
	s0 =	simm.s32 @!p2 $0x0  }
0x16: {  	s3 =	sld [smem:$0x3FDB];
	s0 =	simm.s32 @p2 $0x1  }
0x17: {  	s4 =	simm.s32 $0x1BF5;
	[smem:$0x3FBB] =	sst s0  }
0x18: {  	s0 =	sld [smem:$0x3F9E];
	_ =	swait.ge [sflag:s4], $0x0  }
0x19: {  	s7 =	sld [smem:$0x3F9F]  }
0x1a: {  	s8 =	sadd.s32 $0xFFFFE003, lr  }
0x1b: {  	s9 =	sadd.s32 $0xFFFFFEF7, lr;
	s5 =	simm.s32 $0xFFFFFFFF;
	p2 =	slt.u32 s8, $0xFFFFF086  }
0x1c: {  	p1 =	slt.u32 s9, $0xF7A;
	s5 =	simm.s32 @!p2 $0x0  }
0x1d: {  	s5 =	simm.s32 @p1 $0x1;
	p0 =	seq.s32 s7, s2  }
0x1e: {  	s7 =	smul.u32 @!p0 $0xF7A, s2;
	p2 =	seq.s32 @!p0 s5, $0x0  }
0x1f: {  	s9 =	smul.u32 $0xF7A, s1;
	s8 =	simm.s32 @!p0 $0x1BF5;
	p2 =	por !p2, p0  }
0x20: {  	[sflag:s8] =	ssyncset.s32 @!p0 $0xFFFFF086;
	s6 =	sadd.s32 @!p0 s3, s7;
	s7 =	simm.s32 @!p0 $0x108  }
0x21: {  	s3 =	sadd.s32 s3, s9;
	s6 =	sadd.s32 @!p0 $0x88, s6;
	s7 =	simm.s32 @p2 $0x1082  }
0x22: {  	[simem:s7], [sflag:s8] =	dma.local @!p0 [hbm:s6], $0xF7A  }
0x23: {  	s9 =	sor.u32 $0xD0000000, s2;
	s6 =	simm.s32 $0x108;
	_ =	swait.ge @!p0 [sflag:s8], $0x0  }
0x24: {  	s3 =	sadd.s32 $0x88, s3;
	s6 =	simm.s32 @!p1 $0x1082;
	[sflag:s4] =	ssyncset.s32 $0xFFFFF086  }
0x25: {  	[simem:s6], [sflag:s4] =	dma.local [hbm:s3], $0xF7A  }
0x26: {  	[smem:$0x3F9F] =	sst s1;
	(tag) =	ssettag s2;
	_ =	strace s9  }
0x27: {  	s1 =	sld [smem:$0x3FAF]  }
0x28: {  	s2 =	sld [smem:$0x3FB0]  }
0x29: {  	s4 =	sld [smem:$0x3FB2]  }
0x2a: {  	p0 =	seq.s32 s5, $0x0;
	s5 =	sld [smem:$0x3FB3]  }
0x2b: {  	s6 =	sld [smem:$0x3FB4]  }
0x2c: {  	s7 =	sld [smem:$0x3FB5]  }
0x2d: {  	s3 =	simm.s32 $0x108;
	s8 =	sld [smem:$0x3FB6]  }
0x2e: {  	s3 =	simm.s32 @!p0 $0x1082;
	s9 =	sld [smem:$0x3FB7]  }
0x2f: {  	lr =	sadd.s32 s0, s3;
	s0 =	sld [smem:$0x3FAE]  }
0x30: {  	s3 =	sld [smem:$0x3FB1]  }
0x31: {  	[smem:$0x3FBA] =	sst s10  }
0x32: {  	s10 =	sld [smem:$0x3FB8];
	_ =	sdelay $0x3  }
0x33: {  	p0 =	seq.s32 s10, $0x1;
	s10 =	sld [smem:$0x3FBA];
	_ =	sdelay $0x3  }
0x34: {  	[smem:$0x3FBA] =	sst s10  }
0x35: {  	s10 =	sld [smem:$0x3FB9];
	_ =	sdelay $0x3  }
0x36: {  	p1 =	seq.s32 s10, $0x1;
	s10 =	sld [smem:$0x3FBA];
	_ =	sdelay $0x3  }
0x37: {  	[smem:$0x3FBA] =	sst s10  }
0x38: {  	s10 =	sld [smem:$0x3FBB]  }
0x39: {  	_ = 	snop;
	(pc) =	sbr.ind lr, $3  }
0x3a: {  	_ = 	snop  }
0x3b: {  	_ = 	snop  }
0x3c: {  	p2 =	seq.s32 s10, $0x1;
	s10 =	sld [smem:$0x3FBA]  }
0x3d: {  	_ =	shalt  }
0x3e: {  	_ =	shalt  }
0x3f: {  	_ =	shalt  }
0x40: {  	_ =	shalt  }
0x41: {  	_ =	shalt  }
0x42: {  	_ =	shalt  }
0x43: {  	_ =	shalt  }
0x44: {  	_ =	shalt  }
0x45: {  	_ =	shalt  }
0x46: {  	_ =	shalt  }
0x47: {  	_ =	shalt  }
0x48: {  	_ =	shalt  }
0x49: {  	_ =	shalt  }
0x4a: {  	_ =	shalt  }
0x4b: {  	_ =	shalt  }
0x4c: {  	_ =	shalt  }
0x4d: {  	_ =	shalt  }
0x4e: {  	_ =	shalt  }
0x4f: {  	_ =	shalt  }
0x50: {  	_ =	shalt  }
0x51: {  	_ =	shalt  }
0x52: {  	_ =	shalt  }
0x53: {  	_ =	shalt  }
0x54: {  	_ =	shalt  }
0x55: {  	_ =	shalt  }
0x56: {  	_ =	shalt  }
0x57: {  	_ =	shalt  }
0x58: {  	_ =	shalt  }
0x59: {  	_ =	shalt  }
0x5a: {  	_ =	shalt  }
0x5b: {  	_ =	shalt  }
0x5c: {  	_ =	shalt  }
0x5d: {  	_ =	shalt  }
0x5e: {  	_ =	shalt  }
0x5f: {  	_ =	shalt  }
0x60: {  	_ =	shalt  }
0x61: {  	_ =	shalt  }
0x62: {  	_ =	shalt  }
0x63: {  	_ =	shalt  }
0x64: {  	_ =	shalt  }
0x65: {  	_ =	shalt  }
0x66: {  	_ =	shalt  }
0x67: {  	_ =	shalt  }
0x68: {  	_ =	shalt  }
0x69: {  	_ =	shalt  }
0x6a: {  	_ =	shalt  }
0x6b: {  	_ =	shalt  }
0x6c: {  	_ =	shalt  }
0x6d: {  	_ =	shalt  }
0x6e: {  	_ =	shalt  }
0x6f: {  	_ =	shalt  }
0x70: {  	_ =	shalt  }
0x71: {  	_ =	shalt  }
0x72: {  	_ =	shalt  }
0x73: {  	_ =	shalt  }
0x74: {  	_ =	shalt  }
0x75: {  	_ =	shalt  }
0x76: {  	_ =	shalt  }
0x77: {  	_ =	shalt  }
0x78: {  	_ =	shalt  }
0x79: {  	_ =	shalt  }
0x7a: {  	_ =	shalt  }
0x7b: {  	_ =	shalt  }
0x7c: {  	_ =	shalt  }
0x7d: {  	_ =	shalt  }
0x7e: {  	_ =	shalt  }
0x7f: {  	_ =	shalt  }
0x80: {  	_ =	shalt  }
0x81: {  	_ =	shalt  }
0x82: {  	_ =	shalt  }
0x83: {  	_ =	shalt  }
0x84: {  	_ =	shalt  }
0x85: {  	_ =	shalt  }
0x86: {  	_ =	shalt  }
0x87: {  	_ =	shalt  }
.Lfunc_end0:
.L_simem_size_0:
called_computation_lowered:
.L_overlay_start_0:
0x88: {  	s2 =	sld [smem:$0x3FD9]  }
0x89: {  	s3 =	sld [smem:$0x3FFE];
	_ =	sdelay $0x1  }
0x8a: {  	s1 =	srdreg.scid  }
0x8b: {  	s0 =	sand.u32 $0x1, s1  }
0x8c: {  	s17 =	sshll.u32 s0, $0xA;
	s2 =	sadd.s32 s3, s2  }
0x8d: {  	s2 =	sadd.s32 s2, s17  }
0x8e: {  	[smem:$0x3FC6] =	sst s2  }
0x8f: {  	_ = 	snop  }
0x90: {  	s2 =	sld [smem:$0x3FC9]  }
0x91: {  	s18 =	sld [smem:$0x3FD0];
	(tm) =	ssettm $0x1  }
0x92: {  	s4 =	sld [smem:$0x3FFB];
	_ =	sdelay $0x3  }
0x93: {  	_ =	strace s4  }
0x94: {  	s4 =	sld [smem:$0x3FFC];
	_ =	sdelay $0x3  }
0x95: {  	_ =	strace s4  }
0x96: {  	s4 =	sld [smem:$0x3FFD];
	_ =	sdelay $0x3  }
0x97: {  	_ =	strace s4  }
0x98: {  	_ =	strace $0x8FFFFFFF  }
0x99: {  	s19 =	sld [smem:$0x3FDB];
	_ =	sdelay $0x1  }
0x9a: {  	s5 =	simm.s32 $_scs_section_size  }
0x9b: {  	s6 =	simm.s32 $_size__tile_overlayer_lowered;
	s7 =	simm.s32 $_tile_overlayer_lowered  }
0x9c: {  	s22 =	simm.s32 $0x1BFF;
	s21 =	sshll.u32 s7, $0x1;
	s4 =	sadd.s32 s5, s19  }
0x9d: {  	s8 =	simm.s32 $0x0;
	s20 =	sshll.u32 s6, $0x1;
	s6 =	sadd.s32 s21, s4  }
0x9e: {  	[timem:s8], [sflag:s22] =	dma.local [hbm:s6], s20  }
0x9f: {  	_ =	swait.ge [sflag:s22], s20  }
0xa0: {  	s5 =	ssub.s32 $0x0, s20;
	[sflag:s22] =	ssyncset.done $0x0  }
0xa1: {  	[sflag:s22] =	ssyncadd.s32 s5;
	_ =	sdelay $0x1  }
0xa2: {  	s23 =	simm.s32 $0x1B8B  }
0xa3: {  	_ =	swait.ge [sflag:s23], $0x1  }
0xa4: {  	[sflag:s23] =	ssyncset.done $0x0  }
0xa5: {  	s25 =	simm.s32 $0x1B8E;
	s24 =	sld [smem:$0x3FFE];
	[sflag:s23] =	ssyncadd.s32 $0xFFFFFFFF  }
0xa6: {  	s26 =	simm.s32 $execute0_lowered;
	[smem:$0x3FD2] =	sst s25  }
0xa7: {  	s6 =	sshll.u32 s26, $0x1;
	_ =	strace $0x80000046;
	[dreg:$0x1] =	wrdreg $0xFFFFFFFF  }
0xa8: {  	s28 =	simm.s32 $_size_execute0_lowered;
	s4 =	sadd.s32 s4, s6;
	[dreg:$0x0] =	wrdreg $0x0  }
0xa9: {  	s6 =	sshll.u32 s28, $0x1;
	[dreg:$0x2] =	wrdreg s4  }
0xaa: {  	[dreg:$0x3] =	wrdreg s6  }
0xab: {  	[dreg:$0x4] =	wrdreg $0xC0  }
0xac: {  	_ =	task [dreg:s8], $0x5FFFF  }
0xad: {  	[dreg:$0x1] =	wrdreg $0xFFFFFFFF  }
0xae: {  	[dreg:$0x0] =	wrdreg $0x60  }
0xaf: {  	[dreg:$0x2] =	wrdreg s2  }
0xb0: {  	[dreg:$0x3] =	wrdreg s18  }
0xb1: {  	[dreg:$0x4] =	wrdreg s24  }
0xb2: {  	[dreg:$0x5] =	wrdreg $0xA8000  }
0xb3: {  	[dreg:$0x6] =	wrdreg $0x9  }
0xb4: {  	_ =	task.clear_ibuf [dreg:s8], $0x7FFFF;
	_ =	strace $0x90000046  }
0xb5: {  	s29 =	simm.s32 $0x9;
	_ =	strace $0x80000048  }
0xb6: {  	_ =	swait.ge [sflag:s29], $0x1  }
0xb7: {  	[sflag:s29] =	ssyncadd.s32 $0xFFFFFFFF  }
0xb8: {  	_ =	strace $0x90000048  }
0xb9: {  	_ =	sfence  }
0xba: {  	s30 =	sld [smem:$0x0];
	_ =	sdelay $0x2  }
0xbb: {  	s31 =	sshll.u32 s1, $0xD;
	s1 =	sshrl.u32 s1, $0x2  }
0xbc: {  	s3 =	sand.u32 $0x4000, s31;
	s1 =	sadd.s32 s1, s30  }
0xbd: {  	s0 =	sor.u32 s3, s0;
	s1 =	sshll.u32 s1, $0x11  }
0xbe: {  	s0 =	sor.u32 s1, s0  }
0xbf: {  	s0 =	sadd.s32 $0x8F2B, s0  }
0xc0: {  	[sflag:s0] =	ssyncadd.remote.s32 $0x1  }
0xc1: {  	_ =	sfence.sel $0xFFFF  }
0xc2: {  	[dreg:$0x0] =	wrdreg $0xFFFFFFFF;
	(pc) =	sbr.abs _section_cstart, $3  }
0xc3: {  	[dreg:$0x1] =	wrdreg $0xFFFFFFFF  }
0xc4: {  	_ =	task.clear_ibuf [dreg:s8], $0x2FFFF;
	_ =	strace $0x9FFFFFFF  }
0xc5: {  	(tm) =	ssettm $0x7FFFFFFF  }
tec
execute0_lowered:
.L_overlay_start_1:
0x0: {  	(tag) =	ssettag $0x1  }
0x1: {  	s0 =	rddreg [dreg:$0x0]  }
0x2: {  	s11 =	rddreg [dreg:$0x1]  }
0x3: {  	s12 =	rddreg [dreg:$0x2]  }
0x4: {  	s3 =	rddreg [dreg:$0x3]  }
0x5: {  	s1 =	srdreg.scid;
	s2 =	rddreg [dreg:$0x4];
	s4 =	simm.s32 $0x0  }
0x6: {  	s16 =	simm.s32 $0x2;
	s5 =	sand.u32 $0x1, s1;
	s1 =	stileid.u32  }
0x7: {  	s17 =	simm.s32 $0x80;
	[smem:$0x7FF] =	sst s4;
	s6 =	smul.u32 $0x140000, s5  }
0x8: {  	s18 =	simm.s32 $0x1;
	s7 =	smul.u32 $0x14000, s1;
	_ =	strace $0x80000047  }
0x9: {  	s29 =	ssub.s32 $0x2, s5;
	s9 =	sshll.u32 s5, $0x4;
	s10 =	smul.u32 $0x50000, s1  }
0xa: {  	p0 =	seq.s32 s5, $0x0;
	s5 =	simm.s32 $0x36;
	s19 =	sshll.u32 s1, $0x6  }
0xb: {  	s8 =	sshrl.u32 s29, $0x1;
	s30 =	sor.u32 s1, s9;
	s5 =	simm.s32 @!p0 $0x68  }
0xc: {  	s19 =	sor.u32 $0x1C02, s19;
	s6 =	sadd.s32 s7, s6;
	s14 =	ssub.s32 s29, s8  }
0xd: {  	s31 =	sshrl.u32 s10, $0x2;
	s15 =	smul.u32 $0x680, s30;
	s6 =	sshrl.u32 s6, $0x3  }
0xe: {  	s14 =	smax.u32 s14, $0x1;
	s13 =	sadd.s32 s6, s12;
	s6 =	sadd.s32 s31, s3  }
0xf: {  	s11 =	sadd.s32 s11, s15;
	s12 =	sadd.s32 s12, s15;
	s15 =	simm.s32 $0x6800  }
0x10: {  	s7 =	sadd.s32 $0x4000, s6;
	s8 =	sadd.s32 $0x8000, s6;
	s9 =	sadd.s32 $0xC000, s6  }
0x11: {  	v0 =	vimm.f32 $0.0e+00;
	s10 =	sadd.s32 $0x10000, s6;
	s13 =	sadd.s32 $0xD000, s13;
	s20 =	sshrl.u32 s6, $0x3  }
.LBB2_1:
0x12: {  	s21 =	simm.s32 $0x0;
	s22 =	simm.s32 $0x200  }
.LBB2_2:
0x13: {  	p0 =	sne.s32 s22, $0xFE00;
	[tilespmem:s21+$0x6870] =	vst v0  }
0x14: {  	[tilespmem:s21+$0x6800] =	vst v0  }
0x15: {  	[tilespmem:s21+$0x6810] =	vst v0  }
.Ltmp0:
0x16: {  	[tilespmem:s21+$0x6820] =	vst v0;
	(pc) =	sbr.rel @p0 .LBB2_2-.Ltmp0, $4  }
0x17: {  	[tilespmem:s21+$0x6830] =	vst v0  }
0x18: {  	[tilespmem:s21+$0x6840] =	vst v0  }
0x19: {  	[tilespmem:s21+$0x6850] =	vst v0  }
0x1a: {  	[tilespmem:s21+$0x6860] =	vst v0;
	s21 =	sshra.s32 s22, $0x2;
	s22 =	sadd.s32 $0x200, s22  }
0x1b: {  	[tilespmem:s21+$0x6870] =	vst v0  }
0x1c: {  	[tilespmem:s21+$0x6800] =	vst v0  }
0x1d: {  	[tilespmem:s21+$0x6810] =	vst v0  }
0x1e: {  	[tilespmem:s21+$0x6820] =	vst v0  }
0x1f: {  	[tilespmem:s21+$0x6830] =	vst v0  }
0x20: {  	[tilespmem:s21+$0x6840] =	vst v0  }
0x21: {  	[tilespmem:s21+$0x6850] =	vst v0  }
0x22: {  	[tilespmem:s21+$0x6860] =	vst v0  }
0x23: {  	[spmem:s6] =	stream.linear.scatter [tilespmem:s15], [sflag:$0x2], $0x4000, $0x38;
	[tilespmem:$0x1E800] =	vst v63  }
0x24: {  	_ =	swait.ge [sflag:s16], $0x4000  }
0x25: {  	[sflag:s16] =	ssyncset.done $0x0  }
0x26: {  	[sflag:s16] =	ssyncadd.s32 $0xFFFFC000  }
0x27: {  	[spmem:s7] =	stream.linear.scatter [tilespmem:s15], [sflag:$0x2], $0x4000, $0x38;
	[tilespmem:$0x1E800] =	vst v63  }
0x28: {  	_ =	swait.ge [sflag:s16], $0x4000  }
0x29: {  	[sflag:s16] =	ssyncset.done $0x0  }
0x2a: {  	[sflag:s16] =	ssyncadd.s32 $0xFFFFC000  }
0x2b: {  	[spmem:s8] =	stream.linear.scatter [tilespmem:s15], [sflag:$0x2], $0x4000, $0x38;
	[tilespmem:$0x1E800] =	vst v63  }
0x2c: {  	_ =	swait.ge [sflag:s16], $0x4000  }
0x2d: {  	[sflag:s16] =	ssyncset.done $0x0  }
0x2e: {  	[sflag:s16] =	ssyncadd.s32 $0xFFFFC000  }
0x2f: {  	[spmem:s9] =	stream.linear.scatter [tilespmem:s15], [sflag:$0x2], $0x4000, $0x38;
	[tilespmem:$0x1E800] =	vst v63  }
0x30: {  	_ =	swait.ge [sflag:s16], $0x4000  }
0x31: {  	[sflag:s16] =	ssyncset.done $0x0  }
0x32: {  	[sflag:s16] =	ssyncadd.s32 $0xFFFFC000  }
0x33: {  	[spmem:s10] =	stream.linear.scatter [tilespmem:s15], [sflag:$0x2], $0x4000, $0x38;
	[tilespmem:$0x1E800] =	vst v63  }
0x34: {  	_ =	swait.ge [sflag:s16], $0x4000  }
0x35: {  	[sflag:s16] =	ssyncset.done $0x0  }
0x36: {  	s21 =	simm.s32 $0x0;
	[sflag:s16] =	ssyncadd.s32 $0xFFFFC000  }
0x37: {  	[tilespmem:s21], [sflag:$0x2] =	stream.linear.gather [hbm4b:s11+s21], $0x3400, $0x38;
	[tilespmem:$0x1E800] =	vst v63  }
0x38: {  	_ =	swait.ge [sflag:s16], $0x3400  }
0x39: {  	[sflag:s16] =	ssyncset.done $0x0  }
0x3a: {  	s22 =	simm.s32 $0x3400;
	[sflag:s16] =	ssyncadd.s32 $0xFFFFCC00  }
0x3b: {  	[tilespmem:s22], [sflag:$0x2] =	stream.linear.gather [hbm4b:s12+s21], $0x3400, $0x38;
	[tilespmem:$0x1E800] =	vst v63  }
0x3c: {  	_ =	swait.ge [sflag:s16], $0x3400  }
0x3d: {  	[sflag:s16] =	ssyncset.done $0x0  }
0x3e: {  	[sflag:s16] =	ssyncadd.s32 $0xFFFFCC00  }
0x3f: {  	[bflag:$0x0] =	sbarrier.arrive $0xFFFF  }
0x40: {  	[tilespmem:s15], [sflag:$0x1] =	stream.indirect.gather [hbm4b:s0+s17], $0x80, s21, s17, $0xb8;
	[tilespmem:$0x1E800] =	vst v63  }
0x41: {  	p0 =	sne.s32 s5, $0x1;
	_ =	swait.ge [sflag:s18], $0x4000  }
.Ltmp1:
0x42: {  	[sflag:s18] =	ssyncset.done $0x0;
	(pc) =	sbr.rel @!p0 .LBB2_5-.Ltmp1, $4  }
0x43: {  	[sflag:s18] =	ssyncadd.s32 $0xFFFFC000  }
0x44: {  	[spmem:s3] =	stream.indirect.scatter.add.f32 [tilespmem:s15], [sflag:$0x2], $0x80, s22, s17, $0xb8;
	[tilespmem:$0x1E800] =	vst v63  }
0x45: {  	_ =	swait.ge [sflag:s16], $0x4000  }
0x46: {  	s23 =	sadd.s32 $0xFFFFFFFF, s5;
	[sflag:s16] =	ssyncset.done $0x0  }
.LBB2_4:
0x47: {  	[sflag:s16] =	ssyncadd.s32 $0xFFFFC000;
	s21 =	sadd.s32 $0x80, s21;
	s22 =	sadd.s32 $0x80, s22  }
0x48: {  	[tilespmem:s15], [sflag:$0x1] =	stream.indirect.gather [hbm4b:s0+s17], $0x80, s21, s17, $0xb8;
	[tilespmem:$0x1E800] =	vst v63  }
0x49: {  	p0 =	sne.s32 s23, $0x1;
	s23 =	sadd.s32 $0xFFFFFFFF, s23;
	_ =	swait.ge [sflag:s18], $0x4000  }
.Ltmp2:
0x4a: {  	[sflag:s18] =	ssyncset.done $0x0;
	(pc) =	sbr.rel @p0 .LBB2_4-.Ltmp2, $4  }
0x4b: {  	[sflag:s18] =	ssyncadd.s32 $0xFFFFC000  }
0x4c: {  	[spmem:s3] =	stream.indirect.scatter.add.f32 [tilespmem:s15], [sflag:$0x2], $0x80, s22, s17, $0xb8;
	[tilespmem:$0x1E800] =	vst v63  }
0x4d: {  	_ =	swait.ge [sflag:s16], $0x4000  }
0x4e: {  	[sflag:s16] =	ssyncset.done $0x0  }
.LBB2_5:
0x4f: {  	s4 =	sadd.s32 $0x1, s4  }
0x50: {  	[sflag:s16] =	ssyncadd.s32 $0xFFFFC000;
	p0 =	sne.s32 s4, s14  }
.Ltmp3:
0x51: {  	[bflag:$0x0] =	sbarrier.arrive $0xFFFF;
	(pc) =	sbr.rel @p0 .LBB2_1-.Ltmp3, $4  }
0x52: {  	[hbm:s13], [sflag:s19] =	dma.local [spmem:s20], $0x2800  }
0x53: {  	_ =	swait.ge [sflag:s16], $0x2800  }
0x54: {  	[sflag:s16] =	ssyncset.done $0x0  }
0x55: {  	[sflag:s16] =	ssyncadd.s32 $0xFFFFD800  }
0x56: {  	_ =	sfence.sel $0x180000  }
0x57: {  	[bflag:$0x0] =	sbarrier.arrive $0xFFFF  }
0x58: {  	p0 =	sne.s32 s1, $0x0;
	_ =	strace $0x90000047  }
0x59: {  	s0 =	sadd.s32 @!p0 $0x100000, s2;
	[bflag:$0x2] =	sbarrier.arrive $0xFFFF  }
0x5a: {  	[sflag:s0] =	ssyncadd.tile.s32 @!p0 $0x1;
	_ =	shalt  }
.Lfunc_end2:
_tile_overlayer_lowered:
.L_overlay_start_2:
0x5b: {  	(tag) =	ssettag $0x2  }
0x5c: {  	s0 =	rddreg [dreg:$0x0];
	s2 =	stileid.u32  }
0x5d: {  	s1 =	rddreg [dreg:$0x1];
	p0 =	sne.s32 s2, $0x0  }
0x5e: {  	s3 =	rddreg [dreg:$0x2];
	[bflag:$0x3] =	sbarrier.arrive $0xFFFF;
	s2 =	simm.s32 @!p0 $0x1C02  }
0x5f: {  	[timem:s3], [sflag:s2] =	dma.local @!p0 [hbm:s0], s1  }
0x60: {  	s0 =	simm.s32 @!p0 $0x2  }
0x61: {  	_ =	swait.ge @!p0 [sflag:s0], s1  }
0x62: {  	s1 =	ssub.s32 @!p0 $0x0, s1;
	[sflag:s0] =	ssyncset.done @!p0 $0x0  }
0x63: {  	[sflag:s0] =	ssyncadd.s32 @!p0 s1  }
0x64: {  	[bflag:$0x3] =	sbarrier.arrive $0xFFFF  }
0x65: {  	_ =	shalt  }

</sc_bundles>
